<compile_context>
chip_gen: v7x
topology: tpu7x:2x2x1
jax: 0.10.2.dev20260603
libtpu: 0.0.44.dev20260713+nightly
codegen_flags: <defaults>
</compile_context>

<pallas_src>
import functools

import jax
import jax.numpy as jnp
from jax import lax
from jax.experimental import pallas as pl
from jax.experimental.pallas import tpu as pltpu
from jax.experimental.pallas import tpu_sc as plsc

N_ROWS = 160000
N_SEG = 10000
D = 256
DH = 128
CHUNK = 128
N_CHUNKS = N_ROWS // CHUNK
NS = 16
NBUF = 3
CHUNKS_PER_TILE = -(-N_CHUNKS // NS)
SEG_PER_TILE = 624
SEG_TAIL = N_SEG - NS * SEG_PER_TILE

_mesh = plsc.VectorSubcoreMesh(core_axis_name="c", subcore_axis_name="s")


def _body(feat_hbm, idx_hbm, out_hbm, *rest):
    idx_bufs = rest[:NBUF]
    row_bufs = rest[NBUF:2 * NBUF]
    acc_sh = rest[2 * NBUF]
    lsems = rest[2 * NBUF + 1:2 * NBUF + 1 + NBUF]
    ssems = rest[2 * NBUF + 1 + NBUF:]
    rows0 = row_bufs[0]

    c = lax.axis_index("c")
    s = lax.axis_index("s")
    col0 = c * DH

    zeros16 = jnp.zeros((16,), jnp.float32)

    def zrow(r, carry):
        for k in range(DH // 16):
            rows0[r, pl.ds(k * 16, 16)] = zeros16
        return carry

    lax.fori_loop(0, CHUNK, zrow, 0)

    seg_base = s * SEG_PER_TILE
    full = SEG_PER_TILE // CHUNK
    rem = SEG_PER_TILE - full * CHUNK
    for j in range(full):
        pltpu.sync_copy(rows0, acc_sh.at[pl.ds(seg_base + j * CHUNK, CHUNK)])
    pltpu.sync_copy(rows0.at[pl.ds(0, rem)],
                    acc_sh.at[pl.ds(seg_base + full * CHUNK, rem)])

    @pl.when(s == 0)
    def _():
        pltpu.sync_copy(rows0.at[pl.ds(0, SEG_TAIL)],
                        acc_sh.at[pl.ds(NS * SEG_PER_TILE, SEG_TAIL)])

    plsc.subcore_barrier()

    def load_issue(i, b):
        ch = s + i * NS

        @pl.when(ch < N_CHUNKS)
        def _():
            rbase = ch * CHUNK

            @pl.when(i >= NBUF)
            def _():
                pltpu.make_async_copy(
                    row_bufs[b], acc_sh.at[idx_bufs[b]], ssems[b]).wait()

            pltpu.async_copy(idx_hbm.at[pl.ds(rbase, CHUNK)],
                             idx_bufs[b], lsems[b])
            pltpu.async_copy(
                feat_hbm.at[pl.ds(rbase, CHUNK), pl.ds(col0, DH)],
                row_bufs[b], lsems[b])

    def scatter_issue(j, bj):
        chj = s + j * NS

        @pl.when(jnp.logical_and(j >= 0, chj < N_CHUNKS))
        def _():
            rbase = chj * CHUNK
            pltpu.make_async_copy(idx_hbm.at[pl.ds(rbase, CHUNK)],
                                  idx_bufs[bj], lsems[bj]).wait()
            pltpu.make_async_copy(
                feat_hbm.at[pl.ds(rbase, CHUNK), pl.ds(col0, DH)],
                row_bufs[bj], lsems[bj]).wait()
            pltpu.async_copy(row_bufs[bj], acc_sh.at[idx_bufs[bj]],
                             ssems[bj], add=True)

    n_steps = CHUNKS_PER_TILE + NBUF - 1
    n_super = -(-n_steps // NBUF)

    def super_body(t, carry):
        for b in range(NBUF):
            i = t * NBUF + b
            load_issue(i, b)
            scatter_issue(i - (NBUF - 1), (b + 1) % NBUF)
        return carry

    lax.fori_loop(0, n_super, super_body, 0)

    for b in range(NBUF):
        pltpu.make_async_copy(row_bufs[b], acc_sh.at[idx_bufs[b]],
                              ssems[b]).wait()

    plsc.subcore_barrier()

    pltpu.sync_copy(acc_sh.at[pl.ds(seg_base, SEG_PER_TILE)],
                    out_hbm.at[pl.ds(seg_base, SEG_PER_TILE), pl.ds(col0, DH)])

    @pl.when(s == 0)
    def _():
        pltpu.sync_copy(
            acc_sh.at[pl.ds(NS * SEG_PER_TILE, SEG_TAIL)],
            out_hbm.at[pl.ds(NS * SEG_PER_TILE, SEG_TAIL), pl.ds(col0, DH)])


_seg_sum = functools.partial(
    pl.kernel,
    mesh=_mesh,
    out_type=jax.ShapeDtypeStruct((N_SEG, D), jnp.float32),
    scratch_types=(
        [pltpu.VMEM((CHUNK,), jnp.int32) for _ in range(NBUF)]
        + [pltpu.VMEM((CHUNK, DH), jnp.float32) for _ in range(NBUF)]
        + [pltpu.VMEM_SHARED((N_SEG, DH), jnp.float32)]
        + [pltpu.SemaphoreType.DMA for _ in range(2 * NBUF)]
    ),
)(_body)


@jax.jit
def kernel(features, structural_indices):
    idx = structural_indices.astype(jnp.int32)
    return _seg_sum(features, idx)

# --- scband reference (transcript-rebuilt; emitter-appended) ---
"""Pipeline reference for scband-accumulator-53953379172649 (READ-ONLY COPY).

The authoritative reference and input builder live on the scoring server;
editing this copy changes nothing except your own understanding.
"""

import jax, jax.numpy as jnp
import numpy as np


def setup_inputs(seed=0) -> dict:
    key = jax.random.key(seed)
    k1, k2 = jax.random.split(key)
    features = jax.random.normal(k1, (160000, 256), dtype=jnp.float32)
    structural_indices = jnp.sort(jax.random.randint(k2, (160000,), 0, 10000, dtype=jnp.int64))
    # guarantee the max segment id is present so n_structures is deterministic
    structural_indices = structural_indices.at[-1].set(9999)
    return {"features": features, "structural_indices": structural_indices}


def reference(features, structural_indices):
    # Original module takes a LIST of feature tensors; here the list has a single
    # element `features`. n_structures = max(idx) + 1, then index_add_ (scatter-add)
    # into a zero-initialized buffer per feature tensor.
    n_structures = 10000
    out_shape = (n_structures,) + tuple(features.shape[1:])
    result = jnp.zeros(out_shape, dtype=jnp.float32)
    result = result.at[structural_indices].add(features)
    return result

if __name__ == "__main__":
    import jax
    _d = setup_inputs()
    print(jax.jit(kernel)(*tuple(_d.values())))

</pallas_src>

<mosaic_0001>
#map = affine_map<(d0, d1) -> (0, 0)>
#map1 = affine_map<(d0, d1) -> (0)>
module attributes {stable_mosaic.version = 14 : i64} {
  func.func @_body(%arg0: i32, %arg1: i32, %arg2: memref<160000x256xf32, #tpu.memory_space<hbm>>, %arg3: memref<160000xi32, #tpu.memory_space<hbm>>, %arg4: memref<10000x256xf32, #tpu.memory_space<hbm>>, %arg5: memref<128xi32, #tpu.memory_space<vmem>>, %arg6: memref<128xi32, #tpu.memory_space<vmem>>, %arg7: memref<128xi32, #tpu.memory_space<vmem>>, %arg8: memref<128x128xf32, #tpu.memory_space<vmem>>, %arg9: memref<128x128xf32, #tpu.memory_space<vmem>>, %arg10: memref<128x128xf32, #tpu.memory_space<vmem>>, %arg11: memref<10000x128xf32, #tpu.memory_space<vmem_shared>>, %arg12: memref<!tpu.dma_semaphore, #tpu.memory_space<semaphore_mem>>, %arg13: memref<!tpu.dma_semaphore, #tpu.memory_space<semaphore_mem>>, %arg14: memref<!tpu.dma_semaphore, #tpu.memory_space<semaphore_mem>>, %arg15: memref<!tpu.dma_semaphore, #tpu.memory_space<semaphore_mem>>, %arg16: memref<!tpu.dma_semaphore, #tpu.memory_space<semaphore_mem>>, %arg17: memref<!tpu.dma_semaphore, #tpu.memory_space<semaphore_mem>>) attributes {dimension_semantics = [#tpu.dimension_semantics<core_parallel>, #tpu.dimension_semantics<subcore_parallel>], iteration_bounds = array<i64: 2, 16>, scalar_prefetch = 0 : i64, scratch_operands = 13 : i64, tpu.core_type = #tpu.core_type<sc_vector_subcore>, window_params = [{transform_indices = #map}, {transform_indices = #map1}, {transform_indices = #map}]} {
    %mul3A = arith.constant 128 : i32
    %mul3A_0 = arith.muli %arg0, %mul3A : i32
    %broadcast_in_dim3A = arith.constant 0.000000e+00 : f32
    %broadcast_in_dim3A_1 = vector.broadcast %broadcast_in_dim3A : f32 to vector<16xf32>
    %scan3A = arith.constant 0 : i32
    %scan3A_2 = arith.constant 0 : i32
    %scan3A_3 = arith.constant 128 : i32
    %scan3A_4 = arith.addi %scan3A_2, %scan3A_3 : i32
    %scan3A_5 = arith.constant 1 : i32
    scf.for %scan3A_40 = %scan3A_2 to %scan3A_4 step %scan3A_5  : i32 {
      %swap3A = arith.index_cast %scan3A_40 : i32 to index
      %swap3A_41 = arith.constant 0 : index
      %swap3A_42 = tpu.vector_load %arg8[%swap3A, %swap3A_41] {strides = array<i32>} : memref<128x128xf32, #tpu.memory_space<vmem>>, vector<1x16xf32>,
      %swap3A_43 = vector.shape_cast %swap3A_42 : vector<1x16xf32> to vector<16xf32>
      %swap3A_44 = vector.shape_cast %broadcast_in_dim3A_1 : vector<16xf32> to vector<1x16xf32>
      tpu.vector_store %arg8[%swap3A, %swap3A_41], %swap3A_44 {strides = array<i32>} : memref<128x128xf32, #tpu.memory_space<vmem>>, vector<1x16xf32>,
      %swap3A_45 = arith.index_cast %scan3A_40 : i32 to index
      %swap3A_46 = arith.constant 16 : index
      %swap3A_47 = tpu.vector_load %arg8[%swap3A_45, %swap3A_46] {strides = array<i32>} : memref<128x128xf32, #tpu.memory_space<vmem>>, vector<1x16xf32>,
      %swap3A_48 = vector.shape_cast %swap3A_47 : vector<1x16xf32> to vector<16xf32>
      %swap3A_49 = vector.shape_cast %broadcast_in_dim3A_1 : vector<16xf32> to vector<1x16xf32>
      tpu.vector_store %arg8[%swap3A_45, %swap3A_46], %swap3A_49 {strides = array<i32>} : memref<128x128xf32, #tpu.memory_space<vmem>>, vector<1x16xf32>,
      %swap3A_50 = arith.index_cast %scan3A_40 : i32 to index
      %swap3A_51 = arith.constant 32 : index
      %swap3A_52 = tpu.vector_load %arg8[%swap3A_50, %swap3A_51] {strides = array<i32>} : memref<128x128xf32, #tpu.memory_space<vmem>>, vector<1x16xf32>,
      %swap3A_53 = vector.shape_cast %swap3A_52 : vector<1x16xf32> to vector<16xf32>
      %swap3A_54 = vector.shape_cast %broadcast_in_dim3A_1 : vector<16xf32> to vector<1x16xf32>
      tpu.vector_store %arg8[%swap3A_50, %swap3A_51], %swap3A_54 {strides = array<i32>} : memref<128x128xf32, #tpu.memory_space<vmem>>, vector<1x16xf32>,
      %swap3A_55 = arith.index_cast %scan3A_40 : i32 to index
      %swap3A_56 = arith.constant 48 : index
      %swap3A_57 = tpu.vector_load %arg8[%swap3A_55, %swap3A_56] {strides = array<i32>} : memref<128x128xf32, #tpu.memory_space<vmem>>, vector<1x16xf32>,
      %swap3A_58 = vector.shape_cast %swap3A_57 : vector<1x16xf32> to vector<16xf32>
      %swap3A_59 = vector.shape_cast %broadcast_in_dim3A_1 : vector<16xf32> to vector<1x16xf32>
      tpu.vector_store %arg8[%swap3A_55, %swap3A_56], %swap3A_59 {strides = array<i32>} : memref<128x128xf32, #tpu.memory_space<vmem>>, vector<1x16xf32>,
      %swap3A_60 = arith.index_cast %scan3A_40 : i32 to index
      %swap3A_61 = arith.constant 64 : index
      %swap3A_62 = tpu.vector_load %arg8[%swap3A_60, %swap3A_61] {strides = array<i32>} : memref<128x128xf32, #tpu.memory_space<vmem>>, vector<1x16xf32>,
      %swap3A_63 = vector.shape_cast %swap3A_62 : vector<1x16xf32> to vector<16xf32>
      %swap3A_64 = vector.shape_cast %broadcast_in_dim3A_1 : vector<16xf32> to vector<1x16xf32>
      tpu.vector_store %arg8[%swap3A_60, %swap3A_61], %swap3A_64 {strides = array<i32>} : memref<128x128xf32, #tpu.memory_space<vmem>>, vector<1x16xf32>,
      %swap3A_65 = arith.index_cast %scan3A_40 : i32 to index
      %swap3A_66 = arith.constant 80 : index
      %swap3A_67 = tpu.vector_load %arg8[%swap3A_65, %swap3A_66] {strides = array<i32>} : memref<128x128xf32, #tpu.memory_space<vmem>>, vector<1x16xf32>,
      %swap3A_68 = vector.shape_cast %swap3A_67 : vector<1x16xf32> to vector<16xf32>
      %swap3A_69 = vector.shape_cast %broadcast_in_dim3A_1 : vector<16xf32> to vector<1x16xf32>
      tpu.vector_store %arg8[%swap3A_65, %swap3A_66], %swap3A_69 {strides = array<i32>} : memref<128x128xf32, #tpu.memory_space<vmem>>, vector<1x16xf32>,
      %swap3A_70 = arith.index_cast %scan3A_40 : i32 to index
      %swap3A_71 = arith.constant 96 : index
      %swap3A_72 = tpu.vector_load %arg8[%swap3A_70, %swap3A_71] {strides = array<i32>} : memref<128x128xf32, #tpu.memory_space<vmem>>, vector<1x16xf32>,
      %swap3A_73 = vector.shape_cast %swap3A_72 : vector<1x16xf32> to vector<16xf32>
      %swap3A_74 = vector.shape_cast %broadcast_in_dim3A_1 : vector<16xf32> to vector<1x16xf32>
      tpu.vector_store %arg8[%swap3A_70, %swap3A_71], %swap3A_74 {strides = array<i32>} : memref<128x128xf32, #tpu.memory_space<vmem>>, vector<1x16xf32>,
      %swap3A_75 = arith.index_cast %scan3A_40 : i32 to index
      %swap3A_76 = arith.constant 112 : index
      %swap3A_77 = tpu.vector_load %arg8[%swap3A_75, %swap3A_76] {strides = array<i32>} : memref<128x128xf32, #tpu.memory_space<vmem>>, vector<1x16xf32>,
      %swap3A_78 = vector.shape_cast %swap3A_77 : vector<1x16xf32> to vector<16xf32>
      %swap3A_79 = vector.shape_cast %broadcast_in_dim3A_1 : vector<16xf32> to vector<1x16xf32>
      tpu.vector_store %arg8[%swap3A_75, %swap3A_76], %swap3A_79 {strides = array<i32>} : memref<128x128xf32, #tpu.memory_space<vmem>>, vector<1x16xf32>,
    }
    %scan3A_6 = arith.constant 128 : i32
    %mul3A_7 = arith.constant 624 : i32
    %mul3A_8 = arith.muli %arg1, %mul3A_7 : i32
    %add3A = arith.constant 0 : i32
    %add3A_9 = arith.addi %mul3A_8, %add3A : i32
    "tpu.region"() ({
      %run_scoped3A = tpu.sem_alloc : memref<!tpu.dma_semaphore, #tpu.memory_space<semaphore_mem>>
      %dma_start3A = arith.constant 0 : i32
      %dma_start3A_40 = tpu.memref_slice %arg11[%add3A_9, %dma_start3A] : memref<10000x128xf32, #tpu.memory_space<vmem_shared>> -> memref<128x128xf32, #tpu.memory_space<vmem_shared>>
      %dma_start3A_41 = arith.constant 0 : i32
      %dma_start3A_42 = tpu.memref_slice %arg11[%add3A_9, %dma_start3A_41] : memref<10000x128xf32, #tpu.memory_space<vmem_shared>> -> memref<128x128xf32, #tpu.memory_space<vmem_shared>>
      tpu.enqueue_dma source(%arg8 : memref<128x128xf32, #tpu.memory_space<vmem>>) target(%dma_start3A_42 : memref<128x128xf32, #tpu.memory_space<vmem_shared>>) target_semaphore(%run_scoped3A : memref<!tpu.dma_semaphore, #tpu.memory_space<semaphore_mem>>)
      %dma_wait3A_43 = arith.constant 0 : i32
      %dma_wait3A_44 = tpu.memref_slice %arg11[%add3A_9, %dma_wait3A_43] : memref<10000x128xf32, #tpu.memory_space<vmem_shared>> -> memref<128x128xf32, #tpu.memory_space<vmem_shared>>
      %dma_wait3A_45 = arith.constant 0 : i32
      %dma_wait3A_46 = tpu.memref_slice %arg11[%add3A_9, %dma_wait3A_45] : memref<10000x128xf32, #tpu.memory_space<vmem_shared>> -> memref<128x128xf32, #tpu.memory_space<vmem_shared>>
      tpu.wait_dma2 semaphore(%run_scoped3A : memref<!tpu.dma_semaphore, #tpu.memory_space<semaphore_mem>>) src(%arg8 : memref<128x128xf32, #tpu.memory_space<vmem>>) dst(%dma_wait3A_46 : memref<128x128xf32, #tpu.memory_space<vmem_shared>>)
      tpu.yield
    }) : () -> ()
    %add3A_10 = arith.constant 128 : i32
    %add3A_11 = arith.addi %mul3A_8, %add3A_10 : i32
    "tpu.region"() ({
      %run_scoped3A = tpu.sem_alloc : memref<!tpu.dma_semaphore, #tpu.memory_space<semaphore_mem>>
      %dma_start3A = arith.constant 0 : i32
      %dma_start3A_40 = tpu.memref_slice %arg11[%add3A_11, %dma_start3A] : memref<10000x128xf32, #tpu.memory_space<vmem_shared>> -> memref<128x128xf32, #tpu.memory_space<vmem_shared>>
      %dma_start3A_41 = arith.constant 0 : i32
      %dma_start3A_42 = tpu.memref_slice %arg11[%add3A_11, %dma_start3A_41] : memref<10000x128xf32, #tpu.memory_space<vmem_shared>> -> memref<128x128xf32, #tpu.memory_space<vmem_shared>>
      tpu.enqueue_dma source(%arg8 : memref<128x128xf32, #tpu.memory_space<vmem>>) target(%dma_start3A_42 : memref<128x128xf32, #tpu.memory_space<vmem_shared>>) target_semaphore(%run_scoped3A : memref<!tpu.dma_semaphore, #tpu.memory_space<semaphore_mem>>)
      %dma_wait3A_43 = arith.constant 0 : i32
      %dma_wait3A_44 = tpu.memref_slice %arg11[%add3A_11, %dma_wait3A_43] : memref<10000x128xf32, #tpu.memory_space<vmem_shared>> -> memref<128x128xf32, #tpu.memory_space<vmem_shared>>
      %dma_wait3A_45 = arith.constant 0 : i32
      %dma_wait3A_46 = tpu.memref_slice %arg11[%add3A_11, %dma_wait3A_45] : memref<10000x128xf32, #tpu.memory_space<vmem_shared>> -> memref<128x128xf32, #tpu.memory_space<vmem_shared>>
      tpu.wait_dma2 semaphore(%run_scoped3A : memref<!tpu.dma_semaphore, #tpu.memory_space<semaphore_mem>>) src(%arg8 : memref<128x128xf32, #tpu.memory_space<vmem>>) dst(%dma_wait3A_46 : memref<128x128xf32, #tpu.memory_space<vmem_shared>>)
      tpu.yield
    }) : () -> ()
    %add3A_12 = arith.constant 256 : i32
    %add3A_13 = arith.addi %mul3A_8, %add3A_12 : i32
    "tpu.region"() ({
      %run_scoped3A = tpu.sem_alloc : memref<!tpu.dma_semaphore, #tpu.memory_space<semaphore_mem>>
      %dma_start3A = arith.constant 0 : i32
      %dma_start3A_40 = tpu.memref_slice %arg11[%add3A_13, %dma_start3A] : memref<10000x128xf32, #tpu.memory_space<vmem_shared>> -> memref<128x128xf32, #tpu.memory_space<vmem_shared>>
      %dma_start3A_41 = arith.constant 0 : i32
      %dma_start3A_42 = tpu.memref_slice %arg11[%add3A_13, %dma_start3A_41] : memref<10000x128xf32, #tpu.memory_space<vmem_shared>> -> memref<128x128xf32, #tpu.memory_space<vmem_shared>>
      tpu.enqueue_dma source(%arg8 : memref<128x128xf32, #tpu.memory_space<vmem>>) target(%dma_start3A_42 : memref<128x128xf32, #tpu.memory_space<vmem_shared>>) target_semaphore(%run_scoped3A : memref<!tpu.dma_semaphore, #tpu.memory_space<semaphore_mem>>)
      %dma_wait3A_43 = arith.constant 0 : i32
      %dma_wait3A_44 = tpu.memref_slice %arg11[%add3A_13, %dma_wait3A_43] : memref<10000x128xf32, #tpu.memory_space<vmem_shared>> -> memref<128x128xf32, #tpu.memory_space<vmem_shared>>
      %dma_wait3A_45 = arith.constant 0 : i32
      %dma_wait3A_46 = tpu.memref_slice %arg11[%add3A_13, %dma_wait3A_45] : memref<10000x128xf32, #tpu.memory_space<vmem_shared>> -> memref<128x128xf32, #tpu.memory_space<vmem_shared>>
      tpu.wait_dma2 semaphore(%run_scoped3A : memref<!tpu.dma_semaphore, #tpu.memory_space<semaphore_mem>>) src(%arg8 : memref<128x128xf32, #tpu.memory_space<vmem>>) dst(%dma_wait3A_46 : memref<128x128xf32, #tpu.memory_space<vmem_shared>>)
      tpu.yield
    }) : () -> ()
    %add3A_14 = arith.constant 384 : i32
    %add3A_15 = arith.addi %mul3A_8, %add3A_14 : i32
    "tpu.region"() ({
      %run_scoped3A = tpu.sem_alloc : memref<!tpu.dma_semaphore, #tpu.memory_space<semaphore_mem>>
      %dma_start3A = arith.constant 0 : i32
      %dma_start3A_40 = tpu.memref_slice %arg11[%add3A_15, %dma_start3A] : memref<10000x128xf32, #tpu.memory_space<vmem_shared>> -> memref<128x128xf32, #tpu.memory_space<vmem_shared>>
      %dma_start3A_41 = arith.constant 0 : i32
      %dma_start3A_42 = tpu.memref_slice %arg11[%add3A_15, %dma_start3A_41] : memref<10000x128xf32, #tpu.memory_space<vmem_shared>> -> memref<128x128xf32, #tpu.memory_space<vmem_shared>>
      tpu.enqueue_dma source(%arg8 : memref<128x128xf32, #tpu.memory_space<vmem>>) target(%dma_start3A_42 : memref<128x128xf32, #tpu.memory_space<vmem_shared>>) target_semaphore(%run_scoped3A : memref<!tpu.dma_semaphore, #tpu.memory_space<semaphore_mem>>)
      %dma_wait3A_43 = arith.constant 0 : i32
      %dma_wait3A_44 = tpu.memref_slice %arg11[%add3A_15, %dma_wait3A_43] : memref<10000x128xf32, #tpu.memory_space<vmem_shared>> -> memref<128x128xf32, #tpu.memory_space<vmem_shared>>
      %dma_wait3A_45 = arith.constant 0 : i32
      %dma_wait3A_46 = tpu.memref_slice %arg11[%add3A_15, %dma_wait3A_45] : memref<10000x128xf32, #tpu.memory_space<vmem_shared>> -> memref<128x128xf32, #tpu.memory_space<vmem_shared>>
      tpu.wait_dma2 semaphore(%run_scoped3A : memref<!tpu.dma_semaphore, #tpu.memory_space<semaphore_mem>>) src(%arg8 : memref<128x128xf32, #tpu.memory_space<vmem>>) dst(%dma_wait3A_46 : memref<128x128xf32, #tpu.memory_space<vmem_shared>>)
      tpu.yield
    }) : () -> ()
    %add3A_16 = arith.constant 512 : i32
    %add3A_17 = arith.addi %mul3A_8, %add3A_16 : i32
    "tpu.region"() ({
      %run_scoped3A = tpu.sem_alloc : memref<!tpu.dma_semaphore, #tpu.memory_space<semaphore_mem>>
      %dma_start3A = arith.constant 0 : i32
      %dma_start3A_40 = arith.constant 0 : i32
      %dma_start3A_41 = tpu.memref_slice %arg8[%dma_start3A, %dma_start3A_40] : memref<128x128xf32, #tpu.memory_space<vmem>> -> memref<112x128xf32, #tpu.memory_space<vmem>>
      %dma_start3A_42 = arith.constant 0 : i32
      %dma_start3A_43 = tpu.memref_slice %arg11[%add3A_17, %dma_start3A_42] : memref<10000x128xf32, #tpu.memory_space<vmem_shared>> -> memref<112x128xf32, #tpu.memory_space<vmem_shared>>
      %dma_start3A_44 = arith.constant 0 : i32
      %dma_start3A_45 = tpu.memref_slice %arg11[%add3A_17, %dma_start3A_44] : memref<10000x128xf32, #tpu.memory_space<vmem_shared>> -> memref<112x128xf32, #tpu.memory_space<vmem_shared>>
      %dma_start3A_46 = arith.constant 0 : i32
      %dma_start3A_47 = arith.constant 0 : i32
      %dma_start3A_48 = tpu.memref_slice %arg8[%dma_start3A_46, %dma_start3A_47] : memref<128x128xf32, #tpu.memory_space<vmem>> -> memref<112x128xf32, #tpu.memory_space<vmem>>
      tpu.enqueue_dma source(%dma_start3A_48 : memref<112x128xf32, #tpu.memory_space<vmem>>) target(%dma_start3A_45 : memref<112x128xf32, #tpu.memory_space<vmem_shared>>) target_semaphore(%run_scoped3A : memref<!tpu.dma_semaphore, #tpu.memory_space<semaphore_mem>>)
      %dma_wait3A_49 = arith.constant 0 : i32
      %dma_wait3A_50 = arith.constant 0 : i32
      %dma_wait3A_51 = tpu.memref_slice %arg8[%dma_wait3A_49, %dma_wait3A_50] : memref<128x128xf32, #tpu.memory_space<vmem>> -> memref<112x128xf32, #tpu.memory_space<vmem>>
      %dma_wait3A_52 = arith.constant 0 : i32
      %dma_wait3A_53 = tpu.memref_slice %arg11[%add3A_17, %dma_wait3A_52] : memref<10000x128xf32, #tpu.memory_space<vmem_shared>> -> memref<112x128xf32, #tpu.memory_space<vmem_shared>>
      %dma_wait3A_54 = arith.constant 0 : i32
      %dma_wait3A_55 = tpu.memref_slice %arg11[%add3A_17, %dma_wait3A_54] : memref<10000x128xf32, #tpu.memory_space<vmem_shared>> -> memref<112x128xf32, #tpu.memory_space<vmem_shared>>
      %dma_wait3A_56 = arith.constant 0 : i32
      %dma_wait3A_57 = arith.constant 0 : i32
      %dma_wait3A_58 = tpu.memref_slice %arg8[%dma_wait3A_56, %dma_wait3A_57] : memref<128x128xf32, #tpu.memory_space<vmem>> -> memref<112x128xf32, #tpu.memory_space<vmem>>
      tpu.wait_dma2 semaphore(%run_scoped3A : memref<!tpu.dma_semaphore, #tpu.memory_space<semaphore_mem>>) src(%dma_wait3A_58 : memref<112x128xf32, #tpu.memory_space<vmem>>) dst(%dma_wait3A_55 : memref<112x128xf32, #tpu.memory_space<vmem_shared>>)
      tpu.yield
    }) : () -> ()
    %eq3A = arith.constant 0 : i32
    %eq3A_18 = arith.cmpi eq, %arg1, %eq3A : i32
    %convert_element_type3A = arith.extui %eq3A_18 : i1 to i32
    %cond3A = arith.constant 0 : i32
    %cond3A_19 = arith.cmpi ne, %convert_element_type3A, %cond3A : i32
    scf.if %cond3A_19 {
      "tpu.region"() ({
        %run_scoped3A = tpu.sem_alloc : memref<!tpu.dma_semaphore, #tpu.memory_space<semaphore_mem>>
        %dma_start3A = arith.constant 0 : i32
        %dma_start3A_40 = arith.constant 0 : i32
        %dma_start3A_41 = tpu.memref_slice %arg8[%dma_start3A, %dma_start3A_40] : memref<128x128xf32, #tpu.memory_space<vmem>> -> memref<16x128xf32, #tpu.memory_space<vmem>>
        %dma_start3A_42 = arith.constant 9984 : i32
        %dma_start3A_43 = arith.constant 0 : i32
        %dma_start3A_44 = tpu.memref_slice %arg11[%dma_start3A_42, %dma_start3A_43] : memref<10000x128xf32, #tpu.memory_space<vmem_shared>> -> memref<16x128xf32, #tpu.memory_space<vmem_shared>>
        %dma_start3A_45 = arith.constant 9984 : i32
        %dma_start3A_46 = arith.constant 0 : i32
        %dma_start3A_47 = tpu.memref_slice %arg11[%dma_start3A_45, %dma_start3A_46] : memref<10000x128xf32, #tpu.memory_space<vmem_shared>> -> memref<16x128xf32, #tpu.memory_space<vmem_shared>>
        %dma_start3A_48 = arith.constant 0 : i32
        %dma_start3A_49 = arith.constant 0 : i32
        %dma_start3A_50 = tpu.memref_slice %arg8[%dma_start3A_48, %dma_start3A_49] : memref<128x128xf32, #tpu.memory_space<vmem>> -> memref<16x128xf32, #tpu.memory_space<vmem>>
        tpu.enqueue_dma source(%dma_start3A_50 : memref<16x128xf32, #tpu.memory_space<vmem>>) target(%dma_start3A_47 : memref<16x128xf32, #tpu.memory_space<vmem_shared>>) target_semaphore(%run_scoped3A : memref<!tpu.dma_semaphore, #tpu.memory_space<semaphore_mem>>)
        %dma_wait3A_51 = arith.constant 0 : i32
        %dma_wait3A_52 = arith.constant 0 : i32
        %dma_wait3A_53 = tpu.memref_slice %arg8[%dma_wait3A_51, %dma_wait3A_52] : memref<128x128xf32, #tpu.memory_space<vmem>> -> memref<16x128xf32, #tpu.memory_space<vmem>>
        %dma_wait3A_54 = arith.constant 9984 : i32
        %dma_wait3A_55 = arith.constant 0 : i32
        %dma_wait3A_56 = tpu.memref_slice %arg11[%dma_wait3A_54, %dma_wait3A_55] : memref<10000x128xf32, #tpu.memory_space<vmem_shared>> -> memref<16x128xf32, #tpu.memory_space<vmem_shared>>
        %dma_wait3A_57 = arith.constant 9984 : i32
        %dma_wait3A_58 = arith.constant 0 : i32
        %dma_wait3A_59 = tpu.memref_slice %arg11[%dma_wait3A_57, %dma_wait3A_58] : memref<10000x128xf32, #tpu.memory_space<vmem_shared>> -> memref<16x128xf32, #tpu.memory_space<vmem_shared>>
        %dma_wait3A_60 = arith.constant 0 : i32
        %dma_wait3A_61 = arith.constant 0 : i32
        %dma_wait3A_62 = tpu.memref_slice %arg8[%dma_wait3A_60, %dma_wait3A_61] : memref<128x128xf32, #tpu.memory_space<vmem>> -> memref<16x128xf32, #tpu.memory_space<vmem>>
        tpu.wait_dma2 semaphore(%run_scoped3A : memref<!tpu.dma_semaphore, #tpu.memory_space<semaphore_mem>>) src(%dma_wait3A_62 : memref<16x128xf32, #tpu.memory_space<vmem>>) dst(%dma_wait3A_59 : memref<16x128xf32, #tpu.memory_space<vmem_shared>>)
        tpu.yield
      }) : () -> ()
    } else {
    }
    %barrier3A = arith.constant 0 : index
    tpu.barrier barrier_id(%barrier3A)
    %scan3A_20 = arith.constant 0 : i32
    %scan3A_21 = arith.constant 0 : i32
    %scan3A_22 = arith.constant 27 : i32
    %scan3A_23 = arith.addi %scan3A_21, %scan3A_22 : i32
    %scan3A_24 = arith.constant 1 : i32
    scf.for %scan3A_40 = %scan3A_21 to %scan3A_23 step %scan3A_24  : i32 {
      %mul3A_41 = arith.constant 3 : i32
      %mul3A_42 = arith.muli %scan3A_40, %mul3A_41 : i32
      %add3A_43 = arith.constant 0 : i32
      %add3A_44 = arith.addi %mul3A_42, %add3A_43 : i32
      %mul3A_45 = arith.constant 16 : i32
      %mul3A_46 = arith.muli %add3A_44, %mul3A_45 : i32
      %add3A_47 = arith.addi %arg1, %mul3A_46 : i32
      %lt3A = arith.constant 1250 : i32
      %lt3A_48 = arith.cmpi slt, %add3A_47, %lt3A : i32
      %convert_element_type3A_49 = arith.extui %lt3A_48 : i1 to i32
      %cond3A_50 = arith.constant 0 : i32
      %cond3A_51 = arith.cmpi ne, %convert_element_type3A_49, %cond3A_50 : i32
      scf.if %cond3A_51 {
        %mul3A_112 = arith.constant 128 : i32
        %mul3A_113 = arith.muli %add3A_47, %mul3A_112 : i32
        %ge3A_114 = arith.constant 3 : i32
        %ge3A_115 = arith.cmpi sge, %add3A_44, %ge3A_114 : i32
        %convert_element_type3A_116 = arith.extui %ge3A_115 : i1 to i32
        %cond3A_117 = arith.constant 0 : i32
        %cond3A_118 = arith.cmpi ne, %convert_element_type3A_116, %cond3A_117 : i32
        scf.if %cond3A_118 {
          %dma_wait3A_122 = arith.constant 0 : i32
          %dma_wait3A_123 = arith.constant 0 : i32
          %dma_wait3A_124 = tpu.memref_slice %arg11[%dma_wait3A_122, %dma_wait3A_123] : memref<10000x128xf32, #tpu.memory_space<vmem_shared>> -> memref<10000x128xf32, #tpu.memory_space<vmem_shared>>
          tpu.wait_indirect_dma semaphore(%arg15 : memref<!tpu.dma_semaphore, #tpu.memory_space<semaphore_mem>>) src(%arg8 : memref<128x128xf32, #tpu.memory_space<vmem>>) dst(%dma_wait3A_124 : memref<10000x128xf32, #tpu.memory_space<vmem_shared>>)
        } else {
        }
        %dma_start3A = tpu.memref_slice %arg3[%mul3A_113] : memref<160000xi32, #tpu.memory_space<hbm>> -> memref<128xi32, #tpu.memory_space<hbm>>
        %dma_start3A_119 = tpu.memref_slice %arg3[%mul3A_113] : memref<160000xi32, #tpu.memory_space<hbm>> -> memref<128xi32, #tpu.memory_space<hbm>>
        tpu.enqueue_dma source(%dma_start3A_119 : memref<128xi32, #tpu.memory_space<hbm>>) target(%arg5 : memref<128xi32, #tpu.memory_space<vmem>>) target_semaphore(%arg12 : memref<!tpu.dma_semaphore, #tpu.memory_space<semaphore_mem>>)
        %dma_start3A_120 = tpu.memref_slice %arg2[%mul3A_113, %mul3A_0] : memref<160000x256xf32, #tpu.memory_space<hbm>> -> memref<128x128xf32, #tpu.memory_space<hbm>>
        %dma_start3A_121 = tpu.memref_slice %arg2[%mul3A_113, %mul3A_0] : memref<160000x256xf32, #tpu.memory_space<hbm>> -> memref<128x128xf32, #tpu.memory_space<hbm>>
        tpu.enqueue_dma source(%dma_start3A_121 : memref<128x128xf32, #tpu.memory_space<hbm>>) target(%arg8 : memref<128x128xf32, #tpu.memory_space<vmem>>) target_semaphore(%arg12 : memref<!tpu.dma_semaphore, #tpu.memory_space<semaphore_mem>>)
      } else {
      }
      %sub3A = arith.constant 2 : i32
      %sub3A_52 = arith.subi %add3A_44, %sub3A : i32
      %mul3A_53 = arith.constant 16 : i32
      %mul3A_54 = arith.muli %sub3A_52, %mul3A_53 : i32
      %add3A_55 = arith.addi %arg1, %mul3A_54 : i32
      %ge3A = arith.constant 0 : i32
      %ge3A_56 = arith.cmpi sge, %sub3A_52, %ge3A : i32
      %lt3A_57 = arith.constant 1250 : i32
      %lt3A_58 = arith.cmpi slt, %add3A_55, %lt3A_57 : i32
      %and3A = arith.andi %ge3A_56, %lt3A_58 : i1
      %convert_element_type3A_59 = arith.extui %and3A : i1 to i32
      %cond3A_60 = arith.constant 0 : i32
      %cond3A_61 = arith.cmpi ne, %convert_element_type3A_59, %cond3A_60 : i32
      scf.if %cond3A_61 {
        %mul3A_112 = arith.constant 128 : i32
        %mul3A_113 = arith.muli %add3A_55, %mul3A_112 : i32
        %dma_wait3A_114 = tpu.memref_slice %arg3[%mul3A_113] : memref<160000xi32, #tpu.memory_space<hbm>> -> memref<128xi32, #tpu.memory_space<hbm>>
        %dma_wait3A_115 = tpu.memref_slice %arg3[%mul3A_113] : memref<160000xi32, #tpu.memory_space<hbm>> -> memref<128xi32, #tpu.memory_space<hbm>>
        tpu.wait_dma2 semaphore(%arg13 : memref<!tpu.dma_semaphore, #tpu.memory_space<semaphore_mem>>) src(%dma_wait3A_115 : memref<128xi32, #tpu.memory_space<hbm>>) dst(%arg6 : memref<128xi32, #tpu.memory_space<vmem>>)
        %dma_wait3A_116 = tpu.memref_slice %arg2[%mul3A_113, %mul3A_0] : memref<160000x256xf32, #tpu.memory_space<hbm>> -> memref<128x128xf32, #tpu.memory_space<hbm>>
        %dma_wait3A_117 = tpu.memref_slice %arg2[%mul3A_113, %mul3A_0] : memref<160000x256xf32, #tpu.memory_space<hbm>> -> memref<128x128xf32, #tpu.memory_space<hbm>>
        tpu.wait_dma2 semaphore(%arg13 : memref<!tpu.dma_semaphore, #tpu.memory_space<semaphore_mem>>) src(%dma_wait3A_117 : memref<128x128xf32, #tpu.memory_space<hbm>>) dst(%arg9 : memref<128x128xf32, #tpu.memory_space<vmem>>)
        %dma_start3A = arith.constant 0 : i32
        %dma_start3A_118 = arith.constant 0 : i32
        %dma_start3A_119 = tpu.memref_slice %arg11[%dma_start3A, %dma_start3A_118] : memref<10000x128xf32, #tpu.memory_space<vmem_shared>> -> memref<10000x128xf32, #tpu.memory_space<vmem_shared>>
        tpu.enqueue_indirect_dma source(%arg9 : memref<128x128xf32, #tpu.memory_space<vmem>>) target(%dma_start3A_119 : memref<10000x128xf32, #tpu.memory_space<vmem_shared>>) offsets(%arg6 : memref<128xi32, #tpu.memory_space<vmem>>) semaphore(%arg16 : memref<!tpu.dma_semaphore, #tpu.memory_space<semaphore_mem>>) {add = true}
      } else {
      }
      %mul3A_62 = arith.constant 3 : i32
      %mul3A_63 = arith.muli %scan3A_40, %mul3A_62 : i32
      %add3A_64 = arith.constant 1 : i32
      %add3A_65 = arith.addi %mul3A_63, %add3A_64 : i32
      %mul3A_66 = arith.constant 16 : i32
      %mul3A_67 = arith.muli %add3A_65, %mul3A_66 : i32
      %add3A_68 = arith.addi %arg1, %mul3A_67 : i32
      %lt3A_69 = arith.constant 1250 : i32
      %lt3A_70 = arith.cmpi slt, %add3A_68, %lt3A_69 : i32
      %convert_element_type3A_71 = arith.extui %lt3A_70 : i1 to i32
      %cond3A_72 = arith.constant 0 : i32
      %cond3A_73 = arith.cmpi ne, %convert_element_type3A_71, %cond3A_72 : i32
      scf.if %cond3A_73 {
        %mul3A_112 = arith.constant 128 : i32
        %mul3A_113 = arith.muli %add3A_68, %mul3A_112 : i32
        %ge3A_114 = arith.constant 3 : i32
        %ge3A_115 = arith.cmpi sge, %add3A_65, %ge3A_114 : i32
        %convert_element_type3A_116 = arith.extui %ge3A_115 : i1 to i32
        %cond3A_117 = arith.constant 0 : i32
        %cond3A_118 = arith.cmpi ne, %convert_element_type3A_116, %cond3A_117 : i32
        scf.if %cond3A_118 {
          %dma_wait3A_122 = arith.constant 0 : i32
          %dma_wait3A_123 = arith.constant 0 : i32
          %dma_wait3A_124 = tpu.memref_slice %arg11[%dma_wait3A_122, %dma_wait3A_123] : memref<10000x128xf32, #tpu.memory_space<vmem_shared>> -> memref<10000x128xf32, #tpu.memory_space<vmem_shared>>
          tpu.wait_indirect_dma semaphore(%arg16 : memref<!tpu.dma_semaphore, #tpu.memory_space<semaphore_mem>>) src(%arg9 : memref<128x128xf32, #tpu.memory_space<vmem>>) dst(%dma_wait3A_124 : memref<10000x128xf32, #tpu.memory_space<vmem_shared>>)
        } else {
        }
        %dma_start3A = tpu.memref_slice %arg3[%mul3A_113] : memref<160000xi32, #tpu.memory_space<hbm>> -> memref<128xi32, #tpu.memory_space<hbm>>
        %dma_start3A_119 = tpu.memref_slice %arg3[%mul3A_113] : memref<160000xi32, #tpu.memory_space<hbm>> -> memref<128xi32, #tpu.memory_space<hbm>>
        tpu.enqueue_dma source(%dma_start3A_119 : memref<128xi32, #tpu.memory_space<hbm>>) target(%arg6 : memref<128xi32, #tpu.memory_space<vmem>>) target_semaphore(%arg13 : memref<!tpu.dma_semaphore, #tpu.memory_space<semaphore_mem>>)
        %dma_start3A_120 = tpu.memref_slice %arg2[%mul3A_113, %mul3A_0] : memref<160000x256xf32, #tpu.memory_space<hbm>> -> memref<128x128xf32, #tpu.memory_space<hbm>>
        %dma_start3A_121 = tpu.memref_slice %arg2[%mul3A_113, %mul3A_0] : memref<160000x256xf32, #tpu.memory_space<hbm>> -> memref<128x128xf32, #tpu.memory_space<hbm>>
        tpu.enqueue_dma source(%dma_start3A_121 : memref<128x128xf32, #tpu.memory_space<hbm>>) target(%arg9 : memref<128x128xf32, #tpu.memory_space<vmem>>) target_semaphore(%arg13 : memref<!tpu.dma_semaphore, #tpu.memory_space<semaphore_mem>>)
      } else {
      }
      %sub3A_74 = arith.constant 2 : i32
      %sub3A_75 = arith.subi %add3A_65, %sub3A_74 : i32
      %mul3A_76 = arith.constant 16 : i32
      %mul3A_77 = arith.muli %sub3A_75, %mul3A_76 : i32
      %add3A_78 = arith.addi %arg1, %mul3A_77 : i32
      %ge3A_79 = arith.constant 0 : i32
      %ge3A_80 = arith.cmpi sge, %sub3A_75, %ge3A_79 : i32
      %lt3A_81 = arith.constant 1250 : i32
      %lt3A_82 = arith.cmpi slt, %add3A_78, %lt3A_81 : i32
      %and3A_83 = arith.andi %ge3A_80, %lt3A_82 : i1
      %convert_element_type3A_84 = arith.extui %and3A_83 : i1 to i32
      %cond3A_85 = arith.constant 0 : i32
      %cond3A_86 = arith.cmpi ne, %convert_element_type3A_84, %cond3A_85 : i32
      scf.if %cond3A_86 {
        %mul3A_112 = arith.constant 128 : i32
        %mul3A_113 = arith.muli %add3A_78, %mul3A_112 : i32
        %dma_wait3A_114 = tpu.memref_slice %arg3[%mul3A_113] : memref<160000xi32, #tpu.memory_space<hbm>> -> memref<128xi32, #tpu.memory_space<hbm>>
        %dma_wait3A_115 = tpu.memref_slice %arg3[%mul3A_113] : memref<160000xi32, #tpu.memory_space<hbm>> -> memref<128xi32, #tpu.memory_space<hbm>>
        tpu.wait_dma2 semaphore(%arg14 : memref<!tpu.dma_semaphore, #tpu.memory_space<semaphore_mem>>) src(%dma_wait3A_115 : memref<128xi32, #tpu.memory_space<hbm>>) dst(%arg7 : memref<128xi32, #tpu.memory_space<vmem>>)
        %dma_wait3A_116 = tpu.memref_slice %arg2[%mul3A_113, %mul3A_0] : memref<160000x256xf32, #tpu.memory_space<hbm>> -> memref<128x128xf32, #tpu.memory_space<hbm>>
        %dma_wait3A_117 = tpu.memref_slice %arg2[%mul3A_113, %mul3A_0] : memref<160000x256xf32, #tpu.memory_space<hbm>> -> memref<128x128xf32, #tpu.memory_space<hbm>>
        tpu.wait_dma2 semaphore(%arg14 : memref<!tpu.dma_semaphore, #tpu.memory_space<semaphore_mem>>) src(%dma_wait3A_117 : memref<128x128xf32, #tpu.memory_space<hbm>>) dst(%arg10 : memref<128x128xf32, #tpu.memory_space<vmem>>)
        %dma_start3A = arith.constant 0 : i32
        %dma_start3A_118 = arith.constant 0 : i32
        %dma_start3A_119 = tpu.memref_slice %arg11[%dma_start3A, %dma_start3A_118] : memref<10000x128xf32, #tpu.memory_space<vmem_shared>> -> memref<10000x128xf32, #tpu.memory_space<vmem_shared>>
        tpu.enqueue_indirect_dma source(%arg10 : memref<128x128xf32, #tpu.memory_space<vmem>>) target(%dma_start3A_119 : memref<10000x128xf32, #tpu.memory_space<vmem_shared>>) offsets(%arg7 : memref<128xi32, #tpu.memory_space<vmem>>) semaphore(%arg17 : memref<!tpu.dma_semaphore, #tpu.memory_space<semaphore_mem>>) {add = true}
      } else {
      }
      %mul3A_87 = arith.constant 3 : i32
      %mul3A_88 = arith.muli %scan3A_40, %mul3A_87 : i32
      %add3A_89 = arith.constant 2 : i32
      %add3A_90 = arith.addi %mul3A_88, %add3A_89 : i32
      %mul3A_91 = arith.constant 16 : i32
      %mul3A_92 = arith.muli %add3A_90, %mul3A_91 : i32
      %add3A_93 = arith.addi %arg1, %mul3A_92 : i32
      %lt3A_94 = arith.constant 1250 : i32
      %lt3A_95 = arith.cmpi slt, %add3A_93, %lt3A_94 : i32
      %convert_element_type3A_96 = arith.extui %lt3A_95 : i1 to i32
      %cond3A_97 = arith.constant 0 : i32
      %cond3A_98 = arith.cmpi ne, %convert_element_type3A_96, %cond3A_97 : i32
      scf.if %cond3A_98 {
        %mul3A_112 = arith.constant 128 : i32
        %mul3A_113 = arith.muli %add3A_93, %mul3A_112 : i32
        %ge3A_114 = arith.constant 3 : i32
        %ge3A_115 = arith.cmpi sge, %add3A_90, %ge3A_114 : i32
        %convert_element_type3A_116 = arith.extui %ge3A_115 : i1 to i32
        %cond3A_117 = arith.constant 0 : i32
        %cond3A_118 = arith.cmpi ne, %convert_element_type3A_116, %cond3A_117 : i32
        scf.if %cond3A_118 {
          %dma_wait3A_122 = arith.constant 0 : i32
          %dma_wait3A_123 = arith.constant 0 : i32
          %dma_wait3A_124 = tpu.memref_slice %arg11[%dma_wait3A_122, %dma_wait3A_123] : memref<10000x128xf32, #tpu.memory_space<vmem_shared>> -> memref<10000x128xf32, #tpu.memory_space<vmem_shared>>
          tpu.wait_indirect_dma semaphore(%arg17 : memref<!tpu.dma_semaphore, #tpu.memory_space<semaphore_mem>>) src(%arg10 : memref<128x128xf32, #tpu.memory_space<vmem>>) dst(%dma_wait3A_124 : memref<10000x128xf32, #tpu.memory_space<vmem_shared>>)
        } else {
        }
        %dma_start3A = tpu.memref_slice %arg3[%mul3A_113] : memref<160000xi32, #tpu.memory_space<hbm>> -> memref<128xi32, #tpu.memory_space<hbm>>
        %dma_start3A_119 = tpu.memref_slice %arg3[%mul3A_113] : memref<160000xi32, #tpu.memory_space<hbm>> -> memref<128xi32, #tpu.memory_space<hbm>>
        tpu.enqueue_dma source(%dma_start3A_119 : memref<128xi32, #tpu.memory_space<hbm>>) target(%arg7 : memref<128xi32, #tpu.memory_space<vmem>>) target_semaphore(%arg14 : memref<!tpu.dma_semaphore, #tpu.memory_space<semaphore_mem>>)
        %dma_start3A_120 = tpu.memref_slice %arg2[%mul3A_113, %mul3A_0] : memref<160000x256xf32, #tpu.memory_space<hbm>> -> memref<128x128xf32, #tpu.memory_space<hbm>>
        %dma_start3A_121 = tpu.memref_slice %arg2[%mul3A_113, %mul3A_0] : memref<160000x256xf32, #tpu.memory_space<hbm>> -> memref<128x128xf32, #tpu.memory_space<hbm>>
        tpu.enqueue_dma source(%dma_start3A_121 : memref<128x128xf32, #tpu.memory_space<hbm>>) target(%arg10 : memref<128x128xf32, #tpu.memory_space<vmem>>) target_semaphore(%arg14 : memref<!tpu.dma_semaphore, #tpu.memory_space<semaphore_mem>>)
      } else {
      }
      %sub3A_99 = arith.constant 2 : i32
      %sub3A_100 = arith.subi %add3A_90, %sub3A_99 : i32
      %mul3A_101 = arith.constant 16 : i32
      %mul3A_102 = arith.muli %sub3A_100, %mul3A_101 : i32
      %add3A_103 = arith.addi %arg1, %mul3A_102 : i32
      %ge3A_104 = arith.constant 0 : i32
      %ge3A_105 = arith.cmpi sge, %sub3A_100, %ge3A_104 : i32
      %lt3A_106 = arith.constant 1250 : i32
      %lt3A_107 = arith.cmpi slt, %add3A_103, %lt3A_106 : i32
      %and3A_108 = arith.andi %ge3A_105, %lt3A_107 : i1
      %convert_element_type3A_109 = arith.extui %and3A_108 : i1 to i32
      %cond3A_110 = arith.constant 0 : i32
      %cond3A_111 = arith.cmpi ne, %convert_element_type3A_109, %cond3A_110 : i32
      scf.if %cond3A_111 {
        %mul3A_112 = arith.constant 128 : i32
        %mul3A_113 = arith.muli %add3A_103, %mul3A_112 : i32
        %dma_wait3A_114 = tpu.memref_slice %arg3[%mul3A_113] : memref<160000xi32, #tpu.memory_space<hbm>> -> memref<128xi32, #tpu.memory_space<hbm>>
        %dma_wait3A_115 = tpu.memref_slice %arg3[%mul3A_113] : memref<160000xi32, #tpu.memory_space<hbm>> -> memref<128xi32, #tpu.memory_space<hbm>>
        tpu.wait_dma2 semaphore(%arg12 : memref<!tpu.dma_semaphore, #tpu.memory_space<semaphore_mem>>) src(%dma_wait3A_115 : memref<128xi32, #tpu.memory_space<hbm>>) dst(%arg5 : memref<128xi32, #tpu.memory_space<vmem>>)
        %dma_wait3A_116 = tpu.memref_slice %arg2[%mul3A_113, %mul3A_0] : memref<160000x256xf32, #tpu.memory_space<hbm>> -> memref<128x128xf32, #tpu.memory_space<hbm>>
        %dma_wait3A_117 = tpu.memref_slice %arg2[%mul3A_113, %mul3A_0] : memref<160000x256xf32, #tpu.memory_space<hbm>> -> memref<128x128xf32, #tpu.memory_space<hbm>>
        tpu.wait_dma2 semaphore(%arg12 : memref<!tpu.dma_semaphore, #tpu.memory_space<semaphore_mem>>) src(%dma_wait3A_117 : memref<128x128xf32, #tpu.memory_space<hbm>>) dst(%arg8 : memref<128x128xf32, #tpu.memory_space<vmem>>)
        %dma_start3A = arith.constant 0 : i32
        %dma_start3A_118 = arith.constant 0 : i32
        %dma_start3A_119 = tpu.memref_slice %arg11[%dma_start3A, %dma_start3A_118] : memref<10000x128xf32, #tpu.memory_space<vmem_shared>> -> memref<10000x128xf32, #tpu.memory_space<vmem_shared>>
        tpu.enqueue_indirect_dma source(%arg8 : memref<128x128xf32, #tpu.memory_space<vmem>>) target(%dma_start3A_119 : memref<10000x128xf32, #tpu.memory_space<vmem_shared>>) offsets(%arg5 : memref<128xi32, #tpu.memory_space<vmem>>) semaphore(%arg15 : memref<!tpu.dma_semaphore, #tpu.memory_space<semaphore_mem>>) {add = true}
      } else {
      }
    }
    %scan3A_25 = arith.constant 27 : i32
    %dma_wait3A = arith.constant 0 : i32
    %dma_wait3A_26 = arith.constant 0 : i32
    %dma_wait3A_27 = tpu.memref_slice %arg11[%dma_wait3A, %dma_wait3A_26] : memref<10000x128xf32, #tpu.memory_space<vmem_shared>> -> memref<10000x128xf32, #tpu.memory_space<vmem_shared>>
    tpu.wait_indirect_dma semaphore(%arg15 : memref<!tpu.dma_semaphore, #tpu.memory_space<semaphore_mem>>) src(%arg8 : memref<128x128xf32, #tpu.memory_space<vmem>>) dst(%dma_wait3A_27 : memref<10000x128xf32, #tpu.memory_space<vmem_shared>>)
    %dma_wait3A_28 = arith.constant 0 : i32
    %dma_wait3A_29 = arith.constant 0 : i32
    %dma_wait3A_30 = tpu.memref_slice %arg11[%dma_wait3A_28, %dma_wait3A_29] : memref<10000x128xf32, #tpu.memory_space<vmem_shared>> -> memref<10000x128xf32, #tpu.memory_space<vmem_shared>>
    tpu.wait_indirect_dma semaphore(%arg16 : memref<!tpu.dma_semaphore, #tpu.memory_space<semaphore_mem>>) src(%arg9 : memref<128x128xf32, #tpu.memory_space<vmem>>) dst(%dma_wait3A_30 : memref<10000x128xf32, #tpu.memory_space<vmem_shared>>)
    %dma_wait3A_31 = arith.constant 0 : i32
    %dma_wait3A_32 = arith.constant 0 : i32
    %dma_wait3A_33 = tpu.memref_slice %arg11[%dma_wait3A_31, %dma_wait3A_32] : memref<10000x128xf32, #tpu.memory_space<vmem_shared>> -> memref<10000x128xf32, #tpu.memory_space<vmem_shared>>
    tpu.wait_indirect_dma semaphore(%arg17 : memref<!tpu.dma_semaphore, #tpu.memory_space<semaphore_mem>>) src(%arg10 : memref<128x128xf32, #tpu.memory_space<vmem>>) dst(%dma_wait3A_33 : memref<10000x128xf32, #tpu.memory_space<vmem_shared>>)
    %barrier3A_34 = arith.constant 0 : index
    tpu.barrier barrier_id(%barrier3A_34)
    "tpu.region"() ({
      %run_scoped3A = tpu.sem_alloc : memref<!tpu.dma_semaphore, #tpu.memory_space<semaphore_mem>>
      %dma_start3A = tpu.memref_slice %arg4[%mul3A_8, %mul3A_0] : memref<10000x256xf32, #tpu.memory_space<hbm>> -> memref<624x128xf32, #tpu.memory_space<hbm>>
      %dma_start3A_40 = arith.constant 0 : i32
      %dma_start3A_41 = tpu.memref_slice %arg11[%mul3A_8, %dma_start3A_40] : memref<10000x128xf32, #tpu.memory_space<vmem_shared>> -> memref<624x128xf32, #tpu.memory_space<vmem_shared>>
      tpu.enqueue_dma source(%dma_start3A_41 : memref<624x128xf32, #tpu.memory_space<vmem_shared>>) target(%dma_start3A : memref<624x128xf32, #tpu.memory_space<hbm>>) target_semaphore(%run_scoped3A : memref<!tpu.dma_semaphore, #tpu.memory_space<semaphore_mem>>)
      %dma_wait3A_42 = tpu.memref_slice %arg4[%mul3A_8, %mul3A_0] : memref<10000x256xf32, #tpu.memory_space<hbm>> -> memref<624x128xf32, #tpu.memory_space<hbm>>
      %dma_wait3A_43 = arith.constant 0 : i32
      %dma_wait3A_44 = tpu.memref_slice %arg11[%mul3A_8, %dma_wait3A_43] : memref<10000x128xf32, #tpu.memory_space<vmem_shared>> -> memref<624x128xf32, #tpu.memory_space<vmem_shared>>
      tpu.wait_dma2 semaphore(%run_scoped3A : memref<!tpu.dma_semaphore, #tpu.memory_space<semaphore_mem>>) src(%dma_wait3A_44 : memref<624x128xf32, #tpu.memory_space<vmem_shared>>) dst(%dma_wait3A_42 : memref<624x128xf32, #tpu.memory_space<hbm>>)
      tpu.yield
    }) : () -> ()
    %eq3A_35 = arith.constant 0 : i32
    %eq3A_36 = arith.cmpi eq, %arg1, %eq3A_35 : i32
    %convert_element_type3A_37 = arith.extui %eq3A_36 : i1 to i32
    %cond3A_38 = arith.constant 0 : i32
    %cond3A_39 = arith.cmpi ne, %convert_element_type3A_37, %cond3A_38 : i32
    scf.if %cond3A_39 {
      "tpu.region"() ({
        %run_scoped3A = tpu.sem_alloc : memref<!tpu.dma_semaphore, #tpu.memory_space<semaphore_mem>>
        %dma_start3A = arith.constant 9984 : i32
        %dma_start3A_40 = tpu.memref_slice %arg4[%dma_start3A, %mul3A_0] : memref<10000x256xf32, #tpu.memory_space<hbm>> -> memref<16x128xf32, #tpu.memory_space<hbm>>
        %dma_start3A_41 = arith.constant 9984 : i32
        %dma_start3A_42 = arith.constant 0 : i32
        %dma_start3A_43 = tpu.memref_slice %arg11[%dma_start3A_41, %dma_start3A_42] : memref<10000x128xf32, #tpu.memory_space<vmem_shared>> -> memref<16x128xf32, #tpu.memory_space<vmem_shared>>
        tpu.enqueue_dma source(%dma_start3A_43 : memref<16x128xf32, #tpu.memory_space<vmem_shared>>) target(%dma_start3A_40 : memref<16x128xf32, #tpu.memory_space<hbm>>) target_semaphore(%run_scoped3A : memref<!tpu.dma_semaphore, #tpu.memory_space<semaphore_mem>>)
        %dma_wait3A_44 = arith.constant 9984 : i32
        %dma_wait3A_45 = tpu.memref_slice %arg4[%dma_wait3A_44, %mul3A_0] : memref<10000x256xf32, #tpu.memory_space<hbm>> -> memref<16x128xf32, #tpu.memory_space<hbm>>
        %dma_wait3A_46 = arith.constant 9984 : i32
        %dma_wait3A_47 = arith.constant 0 : i32
        %dma_wait3A_48 = tpu.memref_slice %arg11[%dma_wait3A_46, %dma_wait3A_47] : memref<10000x128xf32, #tpu.memory_space<vmem_shared>> -> memref<16x128xf32, #tpu.memory_space<vmem_shared>>
        tpu.wait_dma2 semaphore(%run_scoped3A : memref<!tpu.dma_semaphore, #tpu.memory_space<semaphore_mem>>) src(%dma_wait3A_48 : memref<16x128xf32, #tpu.memory_space<vmem_shared>>) dst(%dma_wait3A_45 : memref<16x128xf32, #tpu.memory_space<hbm>>)
        tpu.yield
      }) : () -> ()
    } else {
    }
    return
  }
}

</mosaic_0001>

<sc_bundles>
// kernel: kernel.3.cloned.1.call-start
scs
__scs_entry_jumppad:
0x0: {  	(pc) =	sbr.rel $0x88, $3  }
0x1: {  	(tag) =	ssettag $0x0;
	lr =	simm.s32 $0x1  }
0x2: {  	[smem:$0x3F9F] =	sst lr;
	_ =	strace $0xD0000000  }
0x3: {  	_ = 	snop  }
0x4: {  	_ = 	snop  }
0x5: {  	_ = 	snop  }
0x6: {  	_ = 	snop  }
0x7: {  	_ = 	snop  }
__scs_overlays_trampoline_lowered:
0x8: {  	[smem:$0x3FAE] =	sst s0  }
0x9: {  	[smem:$0x3FAF] =	sst s1  }
0xa: {  	[smem:$0x3FB0] =	sst s2  }
0xb: {  	[smem:$0x3FB1] =	sst s3  }
0xc: {  	[smem:$0x3FB2] =	sst s4  }
0xd: {  	[smem:$0x3FB3] =	sst s5  }
0xe: {  	[smem:$0x3FB4] =	sst s6  }
0xf: {  	[smem:$0x3FB5] =	sst s7  }
0x10: {  	[smem:$0x3FB6] =	sst s8  }
0x11: {  	[smem:$0x3FB7] =	sst s9;
	s0 =	simm.s32 @!p0 $0x0  }
0x12: {  	s1 =	sld [smem:$0x3F9D];
	s0 =	simm.s32 @p0 $0x1  }
0x13: {  	[smem:$0x3FB8] =	sst s0;
	s0 =	simm.s32 @!p1 $0x0  }
0x14: {  	s2 =	sld [smem:$0x3F9C];
	s0 =	simm.s32 @p1 $0x1  }
0x15: {  	[smem:$0x3FB9] =	sst s0;
	s0 =	simm.s32 @!p2 $0x0  }
0x16: {  	s3 =	sld [smem:$0x3FDB];
	s0 =	simm.s32 @p2 $0x1  }
0x17: {  	s4 =	simm.s32 $0x1BF5;
	[smem:$0x3FBB] =	sst s0  }
0x18: {  	s0 =	sld [smem:$0x3F9E];
	_ =	swait.ge [sflag:s4], $0x0  }
0x19: {  	s7 =	sld [smem:$0x3F9F]  }
0x1a: {  	s8 =	sadd.s32 $0xFFFFE003, lr  }
0x1b: {  	s9 =	sadd.s32 $0xFFFFFEF7, lr;
	s5 =	simm.s32 $0xFFFFFFFF;
	p2 =	slt.u32 s8, $0xFFFFF086  }
0x1c: {  	p1 =	slt.u32 s9, $0xF7A;
	s5 =	simm.s32 @!p2 $0x0  }
0x1d: {  	s5 =	simm.s32 @p1 $0x1;
	p0 =	seq.s32 s7, s2  }
0x1e: {  	s7 =	smul.u32 @!p0 $0xF7A, s2;
	p2 =	seq.s32 @!p0 s5, $0x0  }
0x1f: {  	s9 =	smul.u32 $0xF7A, s1;
	s8 =	simm.s32 @!p0 $0x1BF5;
	p2 =	por !p2, p0  }
0x20: {  	[sflag:s8] =	ssyncset.s32 @!p0 $0xFFFFF086;
	s6 =	sadd.s32 @!p0 s3, s7;
	s7 =	simm.s32 @!p0 $0x108  }
0x21: {  	s3 =	sadd.s32 s3, s9;
	s6 =	sadd.s32 @!p0 $0x88, s6;
	s7 =	simm.s32 @p2 $0x1082  }
0x22: {  	[simem:s7], [sflag:s8] =	dma.local @!p0 [hbm:s6], $0xF7A  }
0x23: {  	s9 =	sor.u32 $0xD0000000, s2;
	s6 =	simm.s32 $0x108;
	_ =	swait.ge @!p0 [sflag:s8], $0x0  }
0x24: {  	s3 =	sadd.s32 $0x88, s3;
	s6 =	simm.s32 @!p1 $0x1082;
	[sflag:s4] =	ssyncset.s32 $0xFFFFF086  }
0x25: {  	[simem:s6], [sflag:s4] =	dma.local [hbm:s3], $0xF7A  }
0x26: {  	[smem:$0x3F9F] =	sst s1;
	(tag) =	ssettag s2;
	_ =	strace s9  }
0x27: {  	s1 =	sld [smem:$0x3FAF]  }
0x28: {  	s2 =	sld [smem:$0x3FB0]  }
0x29: {  	s4 =	sld [smem:$0x3FB2]  }
0x2a: {  	p0 =	seq.s32 s5, $0x0;
	s5 =	sld [smem:$0x3FB3]  }
0x2b: {  	s6 =	sld [smem:$0x3FB4]  }
0x2c: {  	s7 =	sld [smem:$0x3FB5]  }
0x2d: {  	s3 =	simm.s32 $0x108;
	s8 =	sld [smem:$0x3FB6]  }
0x2e: {  	s3 =	simm.s32 @!p0 $0x1082;
	s9 =	sld [smem:$0x3FB7]  }
0x2f: {  	lr =	sadd.s32 s0, s3;
	s0 =	sld [smem:$0x3FAE]  }
0x30: {  	s3 =	sld [smem:$0x3FB1]  }
0x31: {  	[smem:$0x3FBA] =	sst s10  }
0x32: {  	s10 =	sld [smem:$0x3FB8];
	_ =	sdelay $0x3  }
0x33: {  	p0 =	seq.s32 s10, $0x1;
	s10 =	sld [smem:$0x3FBA];
	_ =	sdelay $0x3  }
0x34: {  	[smem:$0x3FBA] =	sst s10  }
0x35: {  	s10 =	sld [smem:$0x3FB9];
	_ =	sdelay $0x3  }
0x36: {  	p1 =	seq.s32 s10, $0x1;
	s10 =	sld [smem:$0x3FBA];
	_ =	sdelay $0x3  }
0x37: {  	[smem:$0x3FBA] =	sst s10  }
0x38: {  	s10 =	sld [smem:$0x3FBB]  }
0x39: {  	_ = 	snop;
	(pc) =	sbr.ind lr, $3  }
0x3a: {  	_ = 	snop  }
0x3b: {  	_ = 	snop  }
0x3c: {  	p2 =	seq.s32 s10, $0x1;
	s10 =	sld [smem:$0x3FBA]  }
0x3d: {  	_ =	shalt  }
0x3e: {  	_ =	shalt  }
0x3f: {  	_ =	shalt  }
0x40: {  	_ =	shalt  }
0x41: {  	_ =	shalt  }
0x42: {  	_ =	shalt  }
0x43: {  	_ =	shalt  }
0x44: {  	_ =	shalt  }
0x45: {  	_ =	shalt  }
0x46: {  	_ =	shalt  }
0x47: {  	_ =	shalt  }
0x48: {  	_ =	shalt  }
0x49: {  	_ =	shalt  }
0x4a: {  	_ =	shalt  }
0x4b: {  	_ =	shalt  }
0x4c: {  	_ =	shalt  }
0x4d: {  	_ =	shalt  }
0x4e: {  	_ =	shalt  }
0x4f: {  	_ =	shalt  }
0x50: {  	_ =	shalt  }
0x51: {  	_ =	shalt  }
0x52: {  	_ =	shalt  }
0x53: {  	_ =	shalt  }
0x54: {  	_ =	shalt  }
0x55: {  	_ =	shalt  }
0x56: {  	_ =	shalt  }
0x57: {  	_ =	shalt  }
0x58: {  	_ =	shalt  }
0x59: {  	_ =	shalt  }
0x5a: {  	_ =	shalt  }
0x5b: {  	_ =	shalt  }
0x5c: {  	_ =	shalt  }
0x5d: {  	_ =	shalt  }
0x5e: {  	_ =	shalt  }
0x5f: {  	_ =	shalt  }
0x60: {  	_ =	shalt  }
0x61: {  	_ =	shalt  }
0x62: {  	_ =	shalt  }
0x63: {  	_ =	shalt  }
0x64: {  	_ =	shalt  }
0x65: {  	_ =	shalt  }
0x66: {  	_ =	shalt  }
0x67: {  	_ =	shalt  }
0x68: {  	_ =	shalt  }
0x69: {  	_ =	shalt  }
0x6a: {  	_ =	shalt  }
0x6b: {  	_ =	shalt  }
0x6c: {  	_ =	shalt  }
0x6d: {  	_ =	shalt  }
0x6e: {  	_ =	shalt  }
0x6f: {  	_ =	shalt  }
0x70: {  	_ =	shalt  }
0x71: {  	_ =	shalt  }
0x72: {  	_ =	shalt  }
0x73: {  	_ =	shalt  }
0x74: {  	_ =	shalt  }
0x75: {  	_ =	shalt  }
0x76: {  	_ =	shalt  }
0x77: {  	_ =	shalt  }
0x78: {  	_ =	shalt  }
0x79: {  	_ =	shalt  }
0x7a: {  	_ =	shalt  }
0x7b: {  	_ =	shalt  }
0x7c: {  	_ =	shalt  }
0x7d: {  	_ =	shalt  }
0x7e: {  	_ =	shalt  }
0x7f: {  	_ =	shalt  }
0x80: {  	_ =	shalt  }
0x81: {  	_ =	shalt  }
0x82: {  	_ =	shalt  }
0x83: {  	_ =	shalt  }
0x84: {  	_ =	shalt  }
0x85: {  	_ =	shalt  }
0x86: {  	_ =	shalt  }
0x87: {  	_ =	shalt  }
.Lfunc_end0:
.L_simem_size_0:
called_computation_lowered:
.L_overlay_start_0:
0x88: {  	s2 =	sld [smem:$0x3FD9]  }
0x89: {  	s3 =	sld [smem:$0x3FFE];
	_ =	sdelay $0x1  }
0x8a: {  	s1 =	srdreg.scid  }
0x8b: {  	s0 =	sand.u32 $0x1, s1  }
0x8c: {  	s18 =	sshll.u32 s0, $0xA;
	s2 =	sadd.s32 s3, s2  }
0x8d: {  	s2 =	sadd.s32 s2, s18  }
0x8e: {  	[smem:$0x3FC6] =	sst s2  }
0x8f: {  	_ = 	snop  }
0x90: {  	s2 =	sld [smem:$0x3FC9]  }
0x91: {  	s19 =	sld [smem:$0x3FC8]  }
0x92: {  	s4 =	sld [smem:$0x3FD0];
	(tm) =	ssettm $0x1  }
0x93: {  	s5 =	sld [smem:$0x3FFB];
	_ =	sdelay $0x3  }
0x94: {  	_ =	strace s5  }
0x95: {  	s5 =	sld [smem:$0x3FFC];
	_ =	sdelay $0x3  }
0x96: {  	_ =	strace s5  }
0x97: {  	s5 =	sld [smem:$0x3FFD];
	_ =	sdelay $0x3  }
0x98: {  	_ =	strace s5  }
0x99: {  	_ =	strace $0x8FFFFFFF  }
0x9a: {  	s20 =	sld [smem:$0x3FDB];
	_ =	sdelay $0x1  }
0x9b: {  	s6 =	simm.s32 $_scs_section_size  }
0x9c: {  	s7 =	simm.s32 $_size__tile_overlayer_lowered;
	s8 =	simm.s32 $_tile_overlayer_lowered  }
0x9d: {  	s23 =	simm.s32 $0x1BFF;
	s22 =	sshll.u32 s8, $0x1;
	s5 =	sadd.s32 s6, s20  }
0x9e: {  	s9 =	simm.s32 $0x0;
	s21 =	sshll.u32 s7, $0x1;
	s7 =	sadd.s32 s22, s5  }
0x9f: {  	[timem:s9], [sflag:s23] =	dma.local [hbm:s7], s21  }
0xa0: {  	_ =	swait.ge [sflag:s23], s21  }
0xa1: {  	s6 =	ssub.s32 $0x0, s21;
	[sflag:s23] =	ssyncset.done $0x0  }
0xa2: {  	[sflag:s23] =	ssyncadd.s32 s6;
	_ =	sdelay $0x1  }
0xa3: {  	s24 =	simm.s32 $0x1B8B  }
0xa4: {  	_ =	swait.ge [sflag:s24], $0x1  }
0xa5: {  	[sflag:s24] =	ssyncset.done $0x0  }
0xa6: {  	s25 =	simm.s32 $0x1B8E;
	[sflag:s24] =	ssyncadd.s32 $0xFFFFFFFF  }
0xa7: {  	s26 =	simm.s32 $execute0_lowered;
	[smem:$0x3FD2] =	sst s25  }
0xa8: {  	s6 =	sshll.u32 s26, $0x1;
	_ =	strace $0x80000046;
	[dreg:$0x1] =	wrdreg $0xFFFFFFFF  }
0xa9: {  	s28 =	simm.s32 $_size_execute0_lowered;
	s5 =	sadd.s32 s5, s6;
	[dreg:$0x0] =	wrdreg $0x0  }
0xaa: {  	s6 =	sshll.u32 s28, $0x1;
	[dreg:$0x2] =	wrdreg s5  }
0xab: {  	[dreg:$0x3] =	wrdreg s6  }
0xac: {  	[dreg:$0x4] =	wrdreg $0xC0  }
0xad: {  	_ =	task [dreg:s9], $0x5FFFF  }
0xae: {  	[dreg:$0x1] =	wrdreg $0xFFFFFFFF  }
0xaf: {  	[dreg:$0x0] =	wrdreg $0x60  }
0xb0: {  	[dreg:$0x2] =	wrdreg s2  }
0xb1: {  	[dreg:$0x3] =	wrdreg s19  }
0xb2: {  	[dreg:$0x4] =	wrdreg s4  }
0xb3: {  	[dreg:$0x5] =	wrdreg $0xC1800  }
0xb4: {  	[dreg:$0x6] =	wrdreg $0x9  }
0xb5: {  	_ =	task.clear_ibuf [dreg:s9], $0x7FFFF;
	_ =	strace $0x90000046  }
0xb6: {  	s29 =	simm.s32 $0x9;
	_ =	strace $0x80000048  }
0xb7: {  	_ =	swait.ge [sflag:s29], $0x1  }
0xb8: {  	[sflag:s29] =	ssyncadd.s32 $0xFFFFFFFF  }
0xb9: {  	_ =	strace $0x90000048  }
0xba: {  	_ =	sfence  }
0xbb: {  	s30 =	sld [smem:$0x0];
	_ =	sdelay $0x2  }
0xbc: {  	s31 =	sshll.u32 s1, $0xD;
	s1 =	sshrl.u32 s1, $0x2  }
0xbd: {  	s3 =	sand.u32 $0x4000, s31;
	s1 =	sadd.s32 s1, s30  }
0xbe: {  	s0 =	sor.u32 s3, s0;
	s1 =	sshll.u32 s1, $0x11  }
0xbf: {  	s0 =	sor.u32 s1, s0  }
0xc0: {  	s0 =	sadd.s32 $0x8F2B, s0  }
0xc1: {  	[sflag:s0] =	ssyncadd.remote.s32 $0x1  }
0xc2: {  	_ =	sfence.sel $0xFFFF  }
0xc3: {  	[dreg:$0x0] =	wrdreg $0xFFFFFFFF;
	(pc) =	sbr.abs _section_cstart, $3  }
0xc4: {  	[dreg:$0x1] =	wrdreg $0xFFFFFFFF  }
0xc5: {  	_ =	task.clear_ibuf [dreg:s9], $0x2FFFF;
	_ =	strace $0x9FFFFFFF  }
0xc6: {  	(tm) =	ssettm $0x7FFFFFFF  }
0xc7: {  	_ =	shalt  }
tec
execute0_lowered:
.L_overlay_start_1:
0x0: {  	(tag) =	ssettag $0x1  }
0x1: {  	s1 =	rddreg [dreg:$0x0]  }
0x2: {  	s0 =	rddreg [dreg:$0x1]  }
0x3: {  	s6 =	rddreg [dreg:$0x2];
	s4 =	srdreg.scid  }
0x4: {  	s2 =	stileid.u32;
	s3 =	rddreg [dreg:$0x3]  }
0x5: {  	s18 =	simm.s32 $0x180;
	s19 =	simm.s32 $0x7;
	s20 =	simm.s32 $0x80  }
0x6: {  	s29 =	simm.s32 $0x100;
	s30 =	simm.s32 $0x3;
	s31 =	simm.s32 $0x8180  }
0x7: {  	s28 =	simm.s32 $0x0;
	s7 =	sand.u32 $0x1, s4;
	s5 =	smul.u32 $0x4E000, s2  }
0x8: {  	s4 =	simm.s32 $0x0;
	s23 =	smul.u32 $0x27000, s2;
	s13 =	sor.u32 $0x10, s2  }
0x9: {  	s25 =	sshll.u32 s2, $0xC;
	s26 =	sshll.u32 s2, $0x4;
	p0 =	sne.s32 s2, $0x0  }
0xa: {  	s8 =	ssub.s32 $0x2, s7;
	[smem:$0x7FF] =	sst s4;
	s11 =	sshll.u32 s7, $0xA  }
0xb: {  	s7 =	sshll.u32 s7, $0x7;
	s9 =	sshrl.u32 s8, $0x1;
	s5 =	sshrl.u32 s5, $0x2  }
0xc: {  	_ =	strace $0x80000047;
	s12 =	sadd.s32 s1, s7;
	s1 =	sadd.s32 s25, s1  }
0xd: {  	s25 =	simm.s32 $0x5;
	s8 =	ssub.s32 s8, s9;
	s5 =	sadd.s32 s5, s3  }
0xe: {  	s9 =	sor.u32 s11, s23;
	s1 =	sadd.s32 s7, s1;
	s21 =	sadd.s32 $0x4000, s5  }
0xf: {  	s23 =	simm.s32 $0x4180;
	s22 =	sadd.s32 $0x8000, s5;
	[dreg:$0x5] =	wrdreg s21  }
0x10: {  	s10 =	sadd.s32 $0xC000, s5;
	s24 =	sadd.s32 $0x10000, s5;
	[dreg:$0x6] =	wrdreg s22  }
0x11: {  	s9 =	sshrl.u32 s9, $0x3;
	s8 =	smax.u32 s8, $0x1;
	[dreg:$0x7] =	wrdreg s10  }
0x12: {  	[dreg:$0x8] =	wrdreg s24;
	s10 =	sadd.s32 $0x138000, s3;
	s9 =	sadd.s32 s6, s9  }
.Ltmp0:
0x13: {  	s6 =	sadd.s32 s7, s6;
	[dreg:$0xb] =	wrdreg s8;
	(pc) =	sbr.rel .LBB2_1-.Ltmp0, $4  }
0x14: {  	s7 =	sadd.s32 $0x20000, s1;
	s21 =	simm.s32 $0x400;
	s6 =	sadd.s32 $0x4E000, s6  }
0x15: {  	s22 =	simm.s32 $0x800;
	[dreg:$0xa] =	wrdreg s6;
	s6 =	sadd.s32 s26, s0  }
0x16: {  	s24 =	simm.s32 $0x4;
	[dreg:$0x9] =	wrdreg s9;
	s6 =	sadd.s32 $0x200, s6  }
0x17: {  	v0 =	vimm.f32 $0.0e+00;
	s1 =	simm.s32 $0x2;
	s26 =	simm.s32 $0x6;
	[dreg:$0xc] =	wrdreg s6  }
.LBB2_10:
0x18: {  	_ =	swait.ge [sflag:s24], $0x4000  }
0x19: {  	[sflag:s24] =	ssyncset.done $0x0  }
0x1a: {  	[sflag:s24] =	ssyncadd.s32 $0xFFFFC000  }
0x1b: {  	_ =	swait.ge [sflag:s25], $0x4000  }
0x1c: {  	[sflag:s25] =	ssyncset.done $0x0  }
0x1d: {  	[sflag:s25] =	ssyncadd.s32 $0xFFFFC000  }
0x1e: {  	_ =	swait.ge [sflag:s26], $0x4000  }
0x1f: {  	[sflag:s26] =	ssyncset.done $0x0  }
0x20: {  	[sflag:s26] =	ssyncadd.s32 $0xFFFFC000  }
0x21: {  	s6 =	sshll.u32 s2, $0x6;
	s8 =	sshrl.u32 s5, $0x3;
	[bflag:$0x0] =	sbarrier.arrive $0xFFFF  }
0x22: {  	s11 =	simm.s32 $0x8;
	s6 =	sor.u32 $0x1C07, s6;
	s9 =	rddreg [dreg:$0x9]  }
0x23: {  	[hbm:s9@s29], [sflag:s6] =	dma.strided [spmem:s8@s20], $0x2700, s11, $0x10   }
0x24: {  	s14 =	simm.s32 @!p0 $0x80;
	_ =	swait.ge [sflag:s19], $0x2700  }
0x25: {  	s8 =	sshrl.u32 @!p0 s10, $0x3;
	s9 =	simm.s32 @!p0 $0x8;
	[sflag:s19] =	ssyncset.done $0x0  }
0x26: {  	s11 =	simm.s32 @!p0 $0x100;
	s15 =	rddreg [dreg:$0xa];
	[sflag:s19] =	ssyncadd.s32 $0xFFFFD900  }
0x27: {  	[hbm:s15@s11], [sflag:s6] =	dma.strided @!p0 [spmem:s8@s14], $0x100, s9, $0x10   }
0x28: {  	s6 =	simm.s32 @!p0 $0x7  }
0x29: {  	_ =	swait.ge @!p0 [sflag:s6], $0x100  }
0x2a: {  	s28 =	sadd.s32 $0x1, s28;
	s17 =	rddreg [dreg:$0xb]  }
0x2b: {  	p1 =	sne.s32 s28, s17  }
.Ltmp1:
0x2c: {  	_ = 	snop;
	(pc) =	sbr.rel @!p1 .LBB2_11-.Ltmp1, $3  }
0x2d: {  	_ =	sdelay $0x1  }
0x2e: {  	[sflag:s6] =	ssyncset.done @!p0 $0x0  }
0x2f: {  	[sflag:s6] =	ssyncadd.s32 @!p0 $0xFFFFFF00  }
.LBB2_1:
0x30: {  	s6 =	simm.s32 $0x0;
	s9 =	simm.s32 $0x200  }
.LBB2_2:
0x31: {  	p1 =	sne.s32 s9, $0xFE00;
	[tilespmem:s6+$0x1F0] =	vst v0  }
0x32: {  	[tilespmem:s6+$0x180] =	vst v0  }
0x33: {  	[tilespmem:s6+$0x190] =	vst v0  }
.Ltmp2:
0x34: {  	[tilespmem:s6+$0x1A0] =	vst v0;
	(pc) =	sbr.rel @p1 .LBB2_2-.Ltmp2, $4  }
0x35: {  	[tilespmem:s6+$0x1B0] =	vst v0  }
0x36: {  	[tilespmem:s6+$0x1C0] =	vst v0  }
0x37: {  	[tilespmem:s6+$0x1D0] =	vst v0  }
0x38: {  	[tilespmem:s6+$0x1E0] =	vst v0;
	s6 =	sshra.s32 s9, $0x2;
	s9 =	sadd.s32 $0x200, s9  }
0x39: {  	[tilespmem:s6+$0x1F0] =	vst v0  }
0x3a: {  	[tilespmem:s6+$0x180] =	vst v0  }
0x3b: {  	[tilespmem:s6+$0x190] =	vst v0  }
0x3c: {  	[tilespmem:s6+$0x1A0] =	vst v0  }
0x3d: {  	[tilespmem:s6+$0x1B0] =	vst v0  }
0x3e: {  	[tilespmem:s6+$0x1C0] =	vst v0  }
0x3f: {  	[tilespmem:s6+$0x1D0] =	vst v0  }
0x40: {  	[tilespmem:s6+$0x1E0] =	vst v0  }
0x41: {  	[spmem:s5] =	stream.linear.scatter [tilespmem:s18], [sflag:$0x7], $0x4000, $0x38;
	[tilespmem:$0x1FA00] =	vst v63  }
0x42: {  	_ =	swait.ge [sflag:s19], $0x4000  }
0x43: {  	[sflag:s19] =	ssyncset.done $0x0  }
0x44: {  	s14 =	rddreg [dreg:$0x5];
	[sflag:s19] =	ssyncadd.s32 $0xFFFFC000  }
0x45: {  	[spmem:s14] =	stream.linear.scatter [tilespmem:s18], [sflag:$0x7], $0x4000, $0x38;
	[tilespmem:$0x1FA00] =	vst v63  }
0x46: {  	_ =	swait.ge [sflag:s19], $0x4000  }
0x47: {  	[sflag:s19] =	ssyncset.done $0x0  }
0x48: {  	s15 =	rddreg [dreg:$0x6];
	[sflag:s19] =	ssyncadd.s32 $0xFFFFC000  }
0x49: {  	[spmem:s15] =	stream.linear.scatter [tilespmem:s18], [sflag:$0x7], $0x4000, $0x38;
	[tilespmem:$0x1FA00] =	vst v63  }
0x4a: {  	_ =	swait.ge [sflag:s19], $0x4000  }
0x4b: {  	[sflag:s19] =	ssyncset.done $0x0  }
0x4c: {  	s16 =	rddreg [dreg:$0x7];
	[sflag:s19] =	ssyncadd.s32 $0xFFFFC000  }
0x4d: {  	[spmem:s16] =	stream.linear.scatter [tilespmem:s18], [sflag:$0x7], $0x4000, $0x38;
	[tilespmem:$0x1FA00] =	vst v63  }
0x4e: {  	_ =	swait.ge [sflag:s19], $0x4000  }
0x4f: {  	[sflag:s19] =	ssyncset.done $0x0  }
0x50: {  	s17 =	rddreg [dreg:$0x8];
	[sflag:s19] =	ssyncadd.s32 $0xFFFFC000  }
0x51: {  	[spmem:s17] =	stream.linear.scatter [tilespmem:s18], [sflag:$0x7], $0x3800, $0x38;
	[tilespmem:$0x1FA00] =	vst v63  }
0x52: {  	_ =	swait.ge [sflag:s19], $0x3800  }
0x53: {  	[sflag:s19] =	ssyncset.done $0x0  }
0x54: {  	s6 =	simm.s32 @!p0 $0x180;
	[sflag:s19] =	ssyncadd.s32 $0xFFFFC800  }
0x55: {  	[spmem:s10] =	stream.linear.scatter @!p0 [tilespmem:s6], [sflag:$0x7], $0x800, $0x38;
	[tilespmem:$0x1FA00] =	vst v63  }
0x56: {  	s6 =	simm.s32 @!p0 $0x7  }
.Ltmp3:
0x57: {  	_ =	swait.ge @!p0 [sflag:s6], $0x800;
	(pc) =	sbr.rel .LBB2_4-.Ltmp3, $4  }
0x58: {  	[sflag:s6] =	ssyncset.done @!p0 $0x0  }
0x59: {  	[sflag:s6] =	ssyncadd.s32 @!p0 $0xFFFFF800  }
0x5a: {  	[bflag:$0x0] =	sbarrier.arrive $0xFFFF  }
0x5b: {  	s17 =	smov.u32 s7;
	s6 =	simm.s32 $0x0;
	s16 =	rddreg [dreg:$0xc]  }
.LBB2_7:
.Ltmp4:
0x5c: {  	s8 =	sshll.u32 s11, $0x4;
	(pc) =	sbr.rel @p2 .LBB2_9-.Ltmp4, $4  }
0x5d: {  	s15 =	sshll.u32 s11, $0xC;
	s8 =	sadd.s32 s0, s8  }
0x5e: {  	[tilespmem:s20], [sflag:$0x2] =	stream.linear.gather [hbm4b:s8+s4], $0x80, $0x38;
	[tilespmem:$0x1FA00] =	vst v63  }
0x5f: {  	s8 =	sadd.s32 s15, s12  }
0x60: {  	[tilespmem:s23], [sflag:$0x2] =	stream.strided.gather [hbm4b:s8+s21], $0x4000, s22, s21, $0x38;
	[tilespmem:$0x1FA00] =	vst v63  }
.LBB2_8:
0x61: {  	_ =	swait.ge [sflag:s30], $0x80  }
0x62: {  	[sflag:s30] =	ssyncset.done $0x0  }
0x63: {  	[sflag:s30] =	ssyncadd.s32 $0xFFFFFF80  }
0x64: {  	_ =	swait.ge [sflag:s30], $0x4000  }
0x65: {  	[sflag:s30] =	ssyncset.done $0x0  }
0x66: {  	[sflag:s30] =	ssyncadd.s32 $0xFFFFC000  }
0x67: {  	[spmem:s3] =	stream.indirect.scatter.add.f32 [tilespmem:s31], [sflag:$0x6], $0x80, s29, s20, $0xb8;
	[tilespmem:$0x1FA00] =	vst v63  }
.LBB2_9:
0x68: {  	s8 =	sadd.s32 $0x20, s9  }
0x69: {  	p2 =	sgt.u32 s8, $0x4E1  }
0x6a: {  	p3 =	seq.s32 @!p2 s6, $0x0  }
0x6b: {  	p3 =	por p3, p2  }
0x6c: {  	s8 =	simm.s32 @!p3 $0x6  }
0x6d: {  	_ =	swait.ge @!p3 [sflag:s8], $0x4000  }
0x6e: {  	[sflag:s8] =	ssyncset.done @!p3 $0x0  }
0x6f: {  	s9 =	simm.s32 @!p2 $0x100;
	[sflag:s8] =	ssyncadd.s32 @!p3 $0xFFFFC000;
	s8 =	simm.s32 @!p2 $0x0  }
0x70: {  	[tilespmem:s9], [sflag:$0x3] =	stream.linear.gather @!p2 [hbm4b:s16+s8], $0x80, $0x38;
	[tilespmem:$0x1FA00] =	vst v63  }
0x71: {  	s11 =	simm.s32 @!p2 $0x8180;
	s8 =	simm.s32 @!p2 $0x400;
	s9 =	simm.s32 @!p2 $0x800  }
0x72: {  	[tilespmem:s11], [sflag:$0x3] =	stream.strided.gather @!p2 [hbm4b:s17+s8], $0x4000, s9, s8, $0x38;
	[tilespmem:$0x1FA00] =	vst v63  }
0x73: {  	s8 =	simm.s32 @!p1 $0x1  }
0x74: {  	_ =	swait.ge @!p1 [sflag:s8], $0x80  }
0x75: {  	[sflag:s8] =	ssyncset.done @!p1 $0x0  }
0x76: {  	[sflag:s8] =	ssyncadd.s32 @!p1 $0xFFFFFF80  }
0x77: {  	_ =	swait.ge @!p1 [sflag:s8], $0x4000  }
0x78: {  	s6 =	sadd.s32 $0x30, s6;
	s9 =	simm.s32 @!p1 $0x0;
	[sflag:s8] =	ssyncset.done @!p1 $0x0  }
0x79: {  	s11 =	simm.s32 @!p1 $0x180;
	[sflag:s8] =	ssyncadd.s32 @!p1 $0xFFFFC000;
	s8 =	simm.s32 @!p1 $0x80  }
0x7a: {  	[spmem:s3] =	stream.indirect.scatter.add.f32 @!p1 [tilespmem:s11], [sflag:$0x4], $0x80, s9, s8, $0xb8;
	[tilespmem:$0x1FA00] =	vst v63  }
0x7b: {  	p1 =	sne.s32 s6, $0x510  }
.Ltmp5:
0x7c: {  	_ = 	snop;
	(pc) =	sbr.rel @!p1 .LBB2_10-.Ltmp5, $2  }
0x7d: {  	_ =	sdelay $0x2  }
0x7e: {  	s16 =	sadd.s32 $0x300, s16;
	s17 =	sadd.s32 $0x30000, s17  }
.LBB2_4:
0x7f: {  	s9 =	sadd.s32 s6, s2  }
0x80: {  	p1 =	sgt.u32 s9, $0x4E1  }
0x81: {  	p2 =	seq.s32 @!p1 s6, $0x0  }
0x82: {  	p2 =	por p2, p1  }
0x83: {  	s11 =	simm.s32 @!p2 $0x4  }
0x84: {  	_ =	swait.ge @!p2 [sflag:s11], $0x4000  }
0x85: {  	[sflag:s11] =	ssyncset.done @!p2 $0x0  }
0x86: {  	s14 =	simm.s32 @!p1 $0x0;
	[sflag:s11] =	ssyncadd.s32 @!p2 $0xFFFFC000;
	p2 =	seq.s32 s6, $0x0  }
.Ltmp6:
0x87: {  	s15 =	simm.s32 @!p1 $0x800;
	s11 =	sadd.s32 @!p1 $0xFFFFFE00, s16;
	(pc) =	sbr.rel @p2 .LBB2_7-.Ltmp6, $4  }
0x88: {  	[tilespmem:s14], [sflag:$0x1] =	stream.linear.gather @!p1 [hbm4b:s11+s14], $0x80, $0x38;
	[tilespmem:$0x1FA00] =	vst v63  }
0x89: {  	s8 =	simm.s32 @!p1 $0x180;
	s11 =	sadd.s32 @!p1 $0xFFFE0000, s17;
	s14 =	simm.s32 @!p1 $0x400  }
0x8a: {  	[tilespmem:s8], [sflag:$0x1] =	stream.strided.gather @!p1 [hbm4b:s11+s14], $0x4000, s15, s14, $0x38;
	[tilespmem:$0x1FA00] =	vst v63  }
0x8b: {  	s11 =	smov.u32 s13  }
0x8c: {  	_ =	swait.ge [sflag:s1], $0x80;
	s11 =	sadd.s32 $0x10, s9  }
0x8d: {  	[sflag:s1] =	ssyncset.done $0x0;
	p3 =	sgt.u32 s11, $0x4E1  }
.Ltmp7:
0x8e: {  	[sflag:s1] =	ssyncadd.s32 $0xFFFFFF80;
	(pc) =	sbr.rel @p3 .LBB2_8-.Ltmp7, $4  }
0x8f: {  	_ =	swait.ge [sflag:s1], $0x4000  }
0x90: {  	[sflag:s1] =	ssyncset.done $0x0  }
0x91: {  	[sflag:s1] =	ssyncadd.s32 $0xFFFFC000  }
0x92: {  	[spmem:s3] =	stream.indirect.scatter.add.f32 [tilespmem:s23], [sflag:$0x5], $0x80, s20, s20, $0xb8;
	[tilespmem:$0x1FA00] =	vst v63  }
.Ltmp8:
0x93: {  	(pc) =	sbr.rel .LBB2_7-.Ltmp8, $4  }
0x94: {  	_ = 	snop  }
0x95: {  	_ =	swait.ge [sflag:s25], $0x4000  }
0x96: {  	[sflag:s25] =	ssyncset.done $0x0  }
0x97: {  	[sflag:s25] =	ssyncadd.s32 $0xFFFFC000  }
.LBB2_11:
0x98: {  	_ =	sfence.sel $0x180000  }
0x99: {  	[bflag:$0x0] =	sbarrier.arrive $0xFFFF  }
0x9a: {  	_ =	strace $0x90000047  }
0x9b: {  	[bflag:$0x2] =	sbarrier.arrive $0xFFFF  }
0x9c: {  	s0 =	rddreg [dreg:$0x4]  }
0x9d: {  	s0 =	sadd.s32 @!p0 $0x100000, s0  }
0x9e: {  	[sflag:s0] =	ssyncadd.tile.s32 @!p0 $0x1;
	_ =	shalt  }
.Lfunc_end2:
_tile_overlayer_lowered:
.L_overlay_start_2:
0x9f: {  	(tag) =	ssettag $0x2  }
0xa0: {  	s0 =	rddreg [dreg:$0x0];
	s2 =	stileid.u32  }
0xa1: {  	s1 =	rddreg [dreg:$0x1];
	p0 =	sne.s32 s2, $0x0  }
0xa2: {  	s3 =	rddreg [dreg:$0x2];
	[bflag:$0x3] =	sbarrier.arrive $0xFFFF;
	s2 =	simm.s32 @!p0 $0x1C07  }
0xa3: {  	[timem:s3], [sflag:s2] =	dma.local @!p0 [hbm:s0], s1  }
0xa4: {  	s0 =	simm.s32 @!p0 $0x7  }
0xa5: {  	_ =	swait.ge @!p0 [sflag:s0], s1  }
0xa6: {  	s1 =	ssub.s32 @!p0 $0x0, s1;
	[sflag:s0] =	ssyncset.done @!p0 $0x0  }
0xa7: {  	[sflag:s0] =	ssyncadd.s32 @!p0 s1  }
0xa8: {  	[bflag:$0x3] =	sbarrier.arrive $0xFFFF  }
0xa9: {  	_ =	shalt  }

</sc_bundles>
